<compile_context>
chip_gen: v7x
topology: tpu7x:2x2x1
jax: 0.10.2.dev20260603
libtpu: 0.0.44.dev20260713+nightly
codegen_flags: <defaults>
</compile_context>

<pallas_src>
import dataclasses

import jax
import jax.numpy as jnp
from jax import lax
from jax.experimental import pallas as pl
from jax.experimental.pallas import tpu as pltpu
from jax.experimental.pallas import tpu_sc as plsc

N = 10000
E = 320000
D = 128
NUM_TYPES = 4

NC = 2
NS = 16
NW = NC * NS

K = 128
CHUNKS = 80
OCT = 8
OCTS = CHUNKS // OCT
EPAD = NW * K * CHUNKS
EPT = E // NW
NPADROWS = 16
NACC = 10112
ROWS_PER_TILE = NACC // NS

_mesh = plsc.VectorSubcoreMesh(core_axis_name="c", subcore_axis_name="s")

_sc_params = pltpu.CompilerParams()
if "needs_layout_passes" in pltpu.CompilerParams.__dataclass_fields__:
    _sc_params = dataclasses.replace(_sc_params, needs_layout_passes=False)


def _deg_body(dst_hbm, deg_hbm, dstbuf, deg_local, sem):
    c = lax.axis_index("c")
    s = lax.axis_index("s")
    wid = s * NC + c
    zero16 = jnp.zeros((16,), jnp.float32)

    @pl.loop(0, N, step=16)
    def _(i):
        deg_local[pl.ds(i, 16)] = zero16

    pltpu.async_copy(dst_hbm.at[wid], dstbuf, sem).wait()
    ones16 = jnp.ones((16,), jnp.float32)

    @pl.loop(0, EPT, step=16)
    def _(e):
        idx = dstbuf[pl.ds(e, 16)]
        plsc.addupdate_scatter(deg_local, [idx], ones16)

    pltpu.sync_copy(deg_local, deg_hbm.at[wid])


@jax.jit
def _sc_degree(dst_r):
    return pl.kernel(
        _deg_body,
        out_type=jax.ShapeDtypeStruct((NW, N), jnp.float32),
        mesh=_mesh,
        scratch_types=[
            pltpu.VMEM((EPT,), jnp.int32),
            pltpu.VMEM((N,), jnp.float32),
            pltpu.SemaphoreType.DMA,
        ],
        compiler_params=_sc_params,
    )(dst_r)


def _agg_body(g_hbm, src_hbm, dst_hbm, out_hbm,
              srcring, dstbuf, rows0, rows1, acc,
              sem_idx, semg0, semg1, sems0, sems1):
    c = lax.axis_index("c")
    s = lax.axis_index("s")
    wid = s * NC + c
    rslice = pl.ds(s * ROWS_PER_TILE, ROWS_PER_TILE)
    src_slab = src_hbm.at[wid]

    idx_cp = pltpu.async_copy(dst_hbm.at[wid], dstbuf, sem_idx)

    @pl.when(s < NS - 1)
    def _():
        sl = pl.ds(s * ROWS_PER_TILE, ROWS_PER_TILE)
        pltpu.sync_copy(g_hbm.at[sl], acc.at[sl])

    @pl.when(s == NS - 1)
    def _():
        sl = pl.ds((NS - 1) * ROWS_PER_TILE, N - (NS - 1) * ROWS_PER_TILE)
        pltpu.sync_copy(g_hbm.at[sl], acc.at[sl])

    idx_cp.wait()
    pltpu.sync_copy(src_slab.at[pl.ds(0, OCT)], srcring.at[0])
    pltpu.async_copy(src_slab.at[pl.ds(OCT, OCT)], srcring.at[1], sem_idx)
    pltpu.async_copy(g_hbm.at[srcring.at[0].at[0]], rows0, semg0)
    plsc.subcore_barrier()

    @pl.loop(0, OCTS)
    def _(o):
        m = lax.rem(o, 2)
        mn = 1 - m
        for i in range(OCT):
            j = OCT * o + i
            rcur, gcur, scur = ((rows0, semg0, sems0) if i % 2 == 0
                                else (rows1, semg1, sems1))
            rnxt, gnxt, snxt = ((rows1, semg1, sems1) if i % 2 == 0
                                else (rows0, semg0, sems0))

            def _wait_scatter():
                pltpu.make_async_copy(rnxt, acc.at[dstbuf.at[0]], snxt).wait()

            if i == 0:
                @pl.when(o > 0)
                def _():
                    _wait_scatter()
            else:
                _wait_scatter()

            if i < OCT - 1:
                pltpu.async_copy(g_hbm.at[srcring.at[m].at[i + 1]], rnxt, gnxt)
            else:
                @pl.when(o + 1 < OCTS)
                def _():
                    pltpu.make_async_copy(
                        src_slab.at[pl.ds((o + 1) * OCT, OCT)],
                        srcring.at[mn], sem_idx).wait()
                    pltpu.async_copy(
                        g_hbm.at[srcring.at[mn].at[0]], rnxt, gnxt)

            pltpu.make_async_copy(
                g_hbm.at[srcring.at[m].at[i]], rcur, gcur).wait()
            if i == OCT - 1:
                @pl.when(o + 2 < OCTS)
                def _():
                    pltpu.async_copy(
                        src_slab.at[pl.ds((o + 2) * OCT, OCT)],
                        srcring.at[m], sem_idx)
            pltpu.async_copy(rcur, acc.at[dstbuf.at[j]], scur, add=True)

    pltpu.make_async_copy(rows1, acc.at[dstbuf.at[0]], sems1).wait()
    plsc.subcore_barrier()
    pltpu.sync_copy(acc.at[rslice], out_hbm.at[c].at[rslice])


@jax.jit
def _sc_aggregate(g, src_t, dst_t):
    return pl.kernel(
        _agg_body,
        out_type=jax.ShapeDtypeStruct((NC, NACC, D), jnp.float32),
        mesh=_mesh,
        scratch_types=[
            pltpu.VMEM((2, OCT, K), jnp.int32),
            pltpu.VMEM((CHUNKS, K), jnp.int32),
            pltpu.VMEM((K, D), jnp.float32),
            pltpu.VMEM((K, D), jnp.float32),
            pltpu.VMEM_SHARED((NACC, D), jnp.float32),
            pltpu.SemaphoreType.DMA,
            pltpu.SemaphoreType.DMA,
            pltpu.SemaphoreType.DMA,
            pltpu.SemaphoreType.DMA,
            pltpu.SemaphoreType.DMA,
        ],
    )(g, src_t, dst_t)


RB = 2000
NRB = N // RB


def _adapter_body(x_ref, nt_ref, aw_ref, ab_ref, w0_ref, dp_ref,
                  dinv_ref, g_ref):
    x = x_ref[...]
    nt = nt_ref[...]
    h_all = jnp.tanh(
        jnp.dot(x, aw_ref[...], preferred_element_type=jnp.float32)
        + ab_ref[...]
    )
    res = jnp.zeros((RB, D), jnp.float32)
    for t in range(NUM_TYPES):
        res = jnp.where(nt == t, h_all[:, t * D:(t + 1) * D], res)
    dinv = lax.rsqrt(jnp.sum(dp_ref[...], axis=1, keepdims=True) + 1.0)
    dinv_ref[...] = dinv
    g_ref[...] = dinv * jnp.dot(res, w0_ref[...],
                                preferred_element_type=jnp.float32)


@jax.jit
def _tc_adapter(x, nt, aw_w, ab_w, w0, dp_t):
    return pl.pallas_call(
        _adapter_body,
        grid=(NRB,),
        in_specs=[
            pl.BlockSpec((RB, D), lambda i: (i, 0)),
            pl.BlockSpec((RB, 1), lambda i: (i, 0)),
            pl.BlockSpec((D, NUM_TYPES * D), lambda i: (0, 0)),
            pl.BlockSpec((1, NUM_TYPES * D), lambda i: (0, 0)),
            pl.BlockSpec((D, D), lambda i: (0, 0)),
            pl.BlockSpec((RB, NW), lambda i: (i, 0)),
        ],
        out_specs=[
            pl.BlockSpec((RB, 1), lambda i: (i, 0)),
            pl.BlockSpec((RB, D), lambda i: (i, 0)),
        ],
        out_shape=[
            jax.ShapeDtypeStruct((N, 1), jnp.float32),
            jax.ShapeDtypeStruct((N, D), jnp.float32),
        ],
    )(x, nt, aw_w, ab_w, w0, dp_t)


def _combine_body(p_ref, g_ref, dinv_ref, w_ref, b_ref, g2_ref):
    dinv = dinv_ref[...]
    out = dinv * (p_ref[0] + p_ref[1] - g_ref[...]) + b_ref[...][None, :]
    g2_ref[...] = dinv * jnp.dot(out, w_ref[...], preferred_element_type=jnp.float32)


@jax.jit
def _tc_combine_matmul(p, g, dinv, w, b):
    return pl.pallas_call(
        _combine_body,
        grid=(NRB,),
        in_specs=[
            pl.BlockSpec((NC, RB, D), lambda i: (0, i, 0)),
            pl.BlockSpec((RB, D), lambda i: (i, 0)),
            pl.BlockSpec((RB, 1), lambda i: (i, 0)),
            pl.BlockSpec((D, D), lambda i: (0, 0)),
            pl.BlockSpec((D,), lambda i: (0,)),
        ],
        out_specs=pl.BlockSpec((RB, D), lambda i: (i, 0)),
        out_shape=jax.ShapeDtypeStruct((N, D), jnp.float32),
    )(p, g, dinv, w, b)


def _final_body(p_ref, g_ref, dinv_ref, b_ref, out_ref):
    out_ref[...] = (
        dinv_ref[...] * (p_ref[0] + p_ref[1] - g_ref[...])
        + b_ref[...][None, :]
    )


@jax.jit
def _tc_final(p, g, dinv, b):
    return pl.pallas_call(
        _final_body,
        grid=(NRB,),
        in_specs=[
            pl.BlockSpec((NC, RB, D), lambda i: (0, i, 0)),
            pl.BlockSpec((RB, D), lambda i: (i, 0)),
            pl.BlockSpec((RB, 1), lambda i: (i, 0)),
            pl.BlockSpec((D,), lambda i: (0,)),
        ],
        out_specs=pl.BlockSpec((RB, D), lambda i: (i, 0)),
        out_shape=jax.ShapeDtypeStruct((N, D), jnp.float32),
    )(p, g, dinv, b)


def kernel(node_feature, node_type, edge_time, edge_index, edge_type,
           adapt_w, adapt_b, gcn_w, gcn_b):
    del edge_time, edge_type
    src = edge_index[0].astype(jnp.int32)
    dst = edge_index[1].astype(jnp.int32)

    dst_r = dst.reshape(NW, EPT)
    pad = EPAD - E
    pad_ar = jnp.arange(pad, dtype=jnp.int32)
    src_t = jnp.concatenate([src, pad_ar % N]).reshape(NW, CHUNKS, K)
    dst_t = jnp.concatenate([dst, N + (pad_ar % NPADROWS)]).reshape(NW, CHUNKS, K)
    nt = node_type.astype(jnp.int32).reshape(N, 1)

    aw_w = jnp.transpose(adapt_w, (1, 0, 2)).reshape(D, NUM_TYPES * D)
    ab_w = adapt_b.reshape(1, NUM_TYPES * D)

    deg_parts = _sc_degree(dst_r)
    dinv, g1 = _tc_adapter(node_feature, nt, aw_w, ab_w, gcn_w[0],
                           deg_parts.T)
    p1 = _sc_aggregate(g1, src_t, dst_t)
    g2 = _tc_combine_matmul(p1, g1, dinv, gcn_w[1], gcn_b[0])
    p2 = _sc_aggregate(g2, src_t, dst_t)
    return _tc_final(p2, g2, dinv, gcn_b[1])

# --- scband reference (transcript-rebuilt; emitter-appended) ---
"""Pipeline reference for scband-gnn-50869592654552 (READ-ONLY COPY).

The authoritative reference and input builder live on the scoring server;
editing this copy changes nothing except your own understanding.
"""

import jax, jax.numpy as jnp
import numpy as np

N = 10000
E = 320000
IN_DIM = 128
N_HID = 128
NUM_TYPES = 4
NUM_RELATIONS = 5
N_LAYERS = 2


def setup_inputs(seed: int = 0) -> dict:
    key = jax.random.key(seed)
    ks = jax.random.split(key, 10)
    node_feature = jax.random.normal(ks[0], (N, IN_DIM), dtype=jnp.float32)
    node_type = jax.random.randint(ks[1], (N,), 0, NUM_TYPES)
    edge_time = jax.random.randint(ks[2], (E,), 0, 100)
    edge_index = jax.random.randint(ks[3], (2, E), 0, N)
    edge_type = jax.random.randint(ks[4], (E,), 0, NUM_RELATIONS)
    adapt_w = jax.random.normal(ks[5], (NUM_TYPES, IN_DIM, N_HID), dtype=jnp.float32) * (1.0 / np.sqrt(IN_DIM))
    adapt_b = jnp.zeros((NUM_TYPES, N_HID), dtype=jnp.float32)
    gcn_w = jax.random.normal(ks[6], (N_LAYERS, N_HID, N_HID), dtype=jnp.float32) * (1.0 / np.sqrt(N_HID))
    gcn_b = jnp.zeros((N_LAYERS, N_HID), dtype=jnp.float32)
    return {
        'node_feature': node_feature,
        'node_type': node_type,
        'edge_time': edge_time,
        'edge_index': edge_index,
        'edge_type': edge_type,
        'adapt_w': adapt_w,
        'adapt_b': adapt_b,
        'gcn_w': gcn_w,
        'gcn_b': gcn_b,
    }


def _gcn_layer(x, edge_index, W, b):
    # PyG GCNConv: add self-loops, symmetric normalization, then aggregate.
    n = x.shape[0]
    loop = jnp.arange(n, dtype=edge_index.dtype)
    src = jnp.concatenate([edge_index[0], loop])
    dst = jnp.concatenate([edge_index[1], loop])
    deg = jnp.zeros((n,), dtype=jnp.float32).at[dst].add(1.0)
    deg_inv_sqrt = jnp.where(deg > 0, 1.0 / jnp.sqrt(deg), 0.0)
    norm = deg_inv_sqrt[src] * deg_inv_sqrt[dst]
    h = x @ W
    msgs = norm[:, None] * jnp.take(h, src, axis=0)
    out = jnp.zeros((n, W.shape[1]), dtype=jnp.float32).at[dst].add(msgs)
    return out + b


def reference(node_feature, node_type, edge_time, edge_index, edge_type, adapt_w, adapt_b, gcn_w, gcn_b):
    # Type-specific input adaptation: res[idx] = tanh(Linear_t(x[idx]))
    res = jnp.zeros((node_feature.shape[0], N_HID), dtype=jnp.float32)
    for t in range(NUM_TYPES):
        h_t = jnp.tanh(node_feature @ adapt_w[t] + adapt_b[t])
        res = jnp.where((node_type == t)[:, None], h_t, res)
    # Dropout is identity in eval mode.
    x = res
    for l in range(N_LAYERS):
        x = _gcn_layer(x, edge_index, gcn_w[l], gcn_b[l])
    return x

if __name__ == "__main__":
    import jax
    _d = setup_inputs()
    print(jax.jit(kernel)(*tuple(_d.values())))

</pallas_src>

<mosaic_0001>
#map = affine_map<(d0, d1) -> (0, 0)>
module attributes {stable_mosaic.version = 14 : i64} {
  func.func @_deg_body(%arg0: i32, %arg1: i32, %arg2: memref<32x10000xi32, #tpu.memory_space<hbm>>, %arg3: memref<32x10000xf32, #tpu.memory_space<hbm>>, %arg4: memref<10000xi32, #tpu.memory_space<vmem>>, %arg5: memref<10000xf32, #tpu.memory_space<vmem>>, %arg6: memref<!tpu.dma_semaphore, #tpu.memory_space<semaphore_mem>>) attributes {dimension_semantics = [#tpu.dimension_semantics<core_parallel>, #tpu.dimension_semantics<subcore_parallel>], iteration_bounds = array<i64: 2, 16>, scalar_prefetch = 0 : i64, scratch_operands = 3 : i64, tpu.core_type = #tpu.core_type<sc_vector_subcore>, window_params = [{transform_indices = #map}, {transform_indices = #map}]} {
    %mul3A = arith.constant 2 : i32
    %mul3A_0 = arith.muli %arg1, %mul3A : i32
    %add3A = arith.addi %mul3A_0, %arg0 : i32
    %broadcast_in_dim3A = arith.constant 0.000000e+00 : f32
    %broadcast_in_dim3A_1 = vector.broadcast %broadcast_in_dim3A : f32 to vector<16xf32>
    %scan3A = arith.constant 0 : i32
    %scan3A_2 = arith.constant 625 : i32
    %scan3A_3 = arith.addi %scan3A, %scan3A_2 : i32
    %scan3A_4 = arith.constant 1 : i32
    scf.for %scan3A_23 = %scan3A to %scan3A_3 step %scan3A_4  : i32 {
      %mul3A_24 = arith.constant 16 : i32
      %mul3A_25 = arith.muli %scan3A_23, %mul3A_24 : i32
      %add3A_26 = arith.constant 0 : i32
      %add3A_27 = arith.addi %add3A_26, %mul3A_25 : i32
      %swap3A = arith.index_cast %add3A_27 : i32 to index
      %swap3A_28 = tpu.vector_load %arg5[%swap3A] {strides = array<i32>} : memref<10000xf32, #tpu.memory_space<vmem>>, vector<16xf32>,
      tpu.vector_store %arg5[%swap3A], %broadcast_in_dim3A_1 {strides = array<i32>} : memref<10000xf32, #tpu.memory_space<vmem>>, vector<16xf32>,
    }
    %scan3A_5 = arith.constant 625 : i32
    %dma_start3A = arith.constant 0 : i32
    %dma_start3A_6 = tpu.memref_slice %arg2[%add3A, %dma_start3A] : memref<32x10000xi32, #tpu.memory_space<hbm>> -> memref<1x10000xi32, #tpu.memory_space<hbm>>
    %dma_start3A_7 = tpu.memref_squeeze %dma_start3A_6 : memref<1x10000xi32, #tpu.memory_space<hbm>> -> memref<10000xi32, #tpu.memory_space<hbm>>
    %dma_start3A_8 = arith.constant 0 : i32
    %dma_start3A_9 = tpu.memref_slice %arg2[%add3A, %dma_start3A_8] : memref<32x10000xi32, #tpu.memory_space<hbm>> -> memref<1x10000xi32, #tpu.memory_space<hbm>>
    %dma_start3A_10 = tpu.memref_squeeze %dma_start3A_9 : memref<1x10000xi32, #tpu.memory_space<hbm>> -> memref<10000xi32, #tpu.memory_space<hbm>>
    tpu.enqueue_dma source(%dma_start3A_10 : memref<10000xi32, #tpu.memory_space<hbm>>) target(%arg4 : memref<10000xi32, #tpu.memory_space<vmem>>) target_semaphore(%arg6 : memref<!tpu.dma_semaphore, #tpu.memory_space<semaphore_mem>>)
    %dma_wait3A = arith.constant 0 : i32
    %dma_wait3A_11 = tpu.memref_slice %arg2[%add3A, %dma_wait3A] : memref<32x10000xi32, #tpu.memory_space<hbm>> -> memref<1x10000xi32, #tpu.memory_space<hbm>>
    %dma_wait3A_12 = tpu.memref_squeeze %dma_wait3A_11 : memref<1x10000xi32, #tpu.memory_space<hbm>> -> memref<10000xi32, #tpu.memory_space<hbm>>
    %dma_wait3A_13 = arith.constant 0 : i32
    %dma_wait3A_14 = tpu.memref_slice %arg2[%add3A, %dma_wait3A_13] : memref<32x10000xi32, #tpu.memory_space<hbm>> -> memref<1x10000xi32, #tpu.memory_space<hbm>>
    %dma_wait3A_15 = tpu.memref_squeeze %dma_wait3A_14 : memref<1x10000xi32, #tpu.memory_space<hbm>> -> memref<10000xi32, #tpu.memory_space<hbm>>
    tpu.wait_dma2 semaphore(%arg6 : memref<!tpu.dma_semaphore, #tpu.memory_space<semaphore_mem>>) src(%dma_wait3A_15 : memref<10000xi32, #tpu.memory_space<hbm>>) dst(%arg4 : memref<10000xi32, #tpu.memory_space<vmem>>)
    %broadcast_in_dim3A_16 = arith.constant 1.000000e+00 : f32
    %broadcast_in_dim3A_17 = vector.broadcast %broadcast_in_dim3A_16 : f32 to vector<16xf32>
    %scan3A_18 = arith.constant 0 : i32
    %scan3A_19 = arith.constant 625 : i32
    %scan3A_20 = arith.addi %scan3A_18, %scan3A_19 : i32
    %scan3A_21 = arith.constant 1 : i32
    scf.for %scan3A_23 = %scan3A_18 to %scan3A_20 step %scan3A_21  : i32 {
      %mul3A_24 = arith.constant 16 : i32
      %mul3A_25 = arith.muli %scan3A_23, %mul3A_24 : i32
      %add3A_26 = arith.constant 0 : i32
      %add3A_27 = arith.addi %add3A_26, %mul3A_25 : i32
      %get3A = arith.index_cast %add3A_27 : i32 to index
      %get3A_28 = tpu.vector_load %arg4[%get3A] {strides = array<i32>} : memref<10000xi32, #tpu.memory_space<vmem>>, vector<16xi32>,
      tpu.vector_store_idx %arg5[%get3A_28], %broadcast_in_dim3A_17 {add = true} : memref<10000xf32, #tpu.memory_space<vmem>>[vector<16xi32>], vector<16xf32>,
    }
    %scan3A_22 = arith.constant 625 : i32
    "tpu.region"() ({
      %run_scoped3A = tpu.sem_alloc : memref<!tpu.dma_semaphore, #tpu.memory_space<semaphore_mem>>
      %dma_start3A_23 = arith.constant 0 : i32
      %dma_start3A_24 = tpu.memref_slice %arg3[%add3A, %dma_start3A_23] : memref<32x10000xf32, #tpu.memory_space<hbm>> -> memref<1x10000xf32, #tpu.memory_space<hbm>>
      %dma_start3A_25 = tpu.memref_squeeze %dma_start3A_24 : memref<1x10000xf32, #tpu.memory_space<hbm>> -> memref<10000xf32, #tpu.memory_space<hbm>>
      %dma_start3A_26 = arith.constant 0 : i32
      %dma_start3A_27 = tpu.memref_slice %arg3[%add3A, %dma_start3A_26] : memref<32x10000xf32, #tpu.memory_space<hbm>> -> memref<1x10000xf32, #tpu.memory_space<hbm>>
      %dma_start3A_28 = tpu.memref_squeeze %dma_start3A_27 : memref<1x10000xf32, #tpu.memory_space<hbm>> -> memref<10000xf32, #tpu.memory_space<hbm>>
      tpu.enqueue_dma source(%arg5 : memref<10000xf32, #tpu.memory_space<vmem>>) target(%dma_start3A_28 : memref<10000xf32, #tpu.memory_space<hbm>>) target_semaphore(%run_scoped3A : memref<!tpu.dma_semaphore, #tpu.memory_space<semaphore_mem>>)
      %dma_wait3A_29 = arith.constant 0 : i32
      %dma_wait3A_30 = tpu.memref_slice %arg3[%add3A, %dma_wait3A_29] : memref<32x10000xf32, #tpu.memory_space<hbm>> -> memref<1x10000xf32, #tpu.memory_space<hbm>>
      %dma_wait3A_31 = tpu.memref_squeeze %dma_wait3A_30 : memref<1x10000xf32, #tpu.memory_space<hbm>> -> memref<10000xf32, #tpu.memory_space<hbm>>
      %dma_wait3A_32 = arith.constant 0 : i32
      %dma_wait3A_33 = tpu.memref_slice %arg3[%add3A, %dma_wait3A_32] : memref<32x10000xf32, #tpu.memory_space<hbm>> -> memref<1x10000xf32, #tpu.memory_space<hbm>>
      %dma_wait3A_34 = tpu.memref_squeeze %dma_wait3A_33 : memref<1x10000xf32, #tpu.memory_space<hbm>> -> memref<10000xf32, #tpu.memory_space<hbm>>
      tpu.wait_dma2 semaphore(%run_scoped3A : memref<!tpu.dma_semaphore, #tpu.memory_space<semaphore_mem>>) src(%arg5 : memref<10000xf32, #tpu.memory_space<vmem>>) dst(%dma_wait3A_34 : memref<10000xf32, #tpu.memory_space<hbm>>)
      tpu.yield
    }) : () -> ()
    return
  }
}

</mosaic_0001>

<sc_bundles>
// kernel: _sc_degree.3.cloned.1.call-start
scs
__scs_entry_jumppad:
0x0: {  	(pc) =	sbr.rel $0x88, $3  }
0x1: {  	(tag) =	ssettag $0x0;
	lr =	simm.s32 $0x1  }
0x2: {  	[smem:$0x3FA0] =	sst lr;
	_ =	strace $0xD0000000  }
0x3: {  	_ = 	snop  }
0x4: {  	_ = 	snop  }
0x5: {  	_ = 	snop  }
0x6: {  	_ = 	snop  }
0x7: {  	_ = 	snop  }
__scs_overlays_trampoline_lowered:
0x8: {  	[smem:$0x3FAF] =	sst s0  }
0x9: {  	[smem:$0x3FB0] =	sst s1  }
0xa: {  	[smem:$0x3FB1] =	sst s2  }
0xb: {  	[smem:$0x3FB2] =	sst s3  }
0xc: {  	[smem:$0x3FB3] =	sst s4  }
0xd: {  	[smem:$0x3FB4] =	sst s5  }
0xe: {  	[smem:$0x3FB5] =	sst s6  }
0xf: {  	[smem:$0x3FB6] =	sst s7  }
0x10: {  	[smem:$0x3FB7] =	sst s8  }
0x11: {  	[smem:$0x3FB8] =	sst s9;
	s0 =	simm.s32 @!p0 $0x0  }
0x12: {  	s1 =	sld [smem:$0x3F9E];
	s0 =	simm.s32 @p0 $0x1  }
0x13: {  	[smem:$0x3FB9] =	sst s0;
	s0 =	simm.s32 @!p1 $0x0  }
0x14: {  	s2 =	sld [smem:$0x3F9D];
	s0 =	simm.s32 @p1 $0x1  }
0x15: {  	[smem:$0x3FBA] =	sst s0;
	s0 =	simm.s32 @!p2 $0x0  }
0x16: {  	s3 =	sld [smem:$0x3FDB];
	s0 =	simm.s32 @p2 $0x1  }
0x17: {  	s4 =	simm.s32 $0x1BF5;
	[smem:$0x3FBC] =	sst s0  }
0x18: {  	s0 =	sld [smem:$0x3F9F];
	_ =	swait.ge [sflag:s4], $0x0  }
0x19: {  	s7 =	sld [smem:$0x3FA0]  }
0x1a: {  	s8 =	sadd.s32 $0xFFFFE003, lr  }
0x1b: {  	s9 =	sadd.s32 $0xFFFFFEF7, lr;
	s5 =	simm.s32 $0xFFFFFFFF;
	p2 =	slt.u32 s8, $0xFFFFF086  }
0x1c: {  	p1 =	slt.u32 s9, $0xF7A;
	s5 =	simm.s32 @!p2 $0x0  }
0x1d: {  	s5 =	simm.s32 @p1 $0x1;
	p0 =	seq.s32 s7, s2  }
0x1e: {  	s7 =	smul.u32 @!p0 $0xF7A, s2;
	p2 =	seq.s32 @!p0 s5, $0x0  }
0x1f: {  	s9 =	smul.u32 $0xF7A, s1;
	s8 =	simm.s32 @!p0 $0x1BF5;
	p2 =	por !p2, p0  }
0x20: {  	[sflag:s8] =	ssyncset.s32 @!p0 $0xFFFFF086;
	s6 =	sadd.s32 @!p0 s3, s7;
	s7 =	simm.s32 @!p0 $0x108  }
0x21: {  	s3 =	sadd.s32 s3, s9;
	s6 =	sadd.s32 @!p0 $0x88, s6;
	s7 =	simm.s32 @p2 $0x1082  }
0x22: {  	[simem:s7], [sflag:s8] =	dma.local @!p0 [hbm:s6], $0xF7A  }
0x23: {  	s9 =	sor.u32 $0xD0000000, s2;
	s6 =	simm.s32 $0x108;
	_ =	swait.ge @!p0 [sflag:s8], $0x0  }
0x24: {  	s3 =	sadd.s32 $0x88, s3;
	s6 =	simm.s32 @!p1 $0x1082;
	[sflag:s4] =	ssyncset.s32 $0xFFFFF086  }
0x25: {  	[simem:s6], [sflag:s4] =	dma.local [hbm:s3], $0xF7A  }
0x26: {  	[smem:$0x3FA0] =	sst s1;
	(tag) =	ssettag s2;
	_ =	strace s9  }
0x27: {  	s1 =	sld [smem:$0x3FB0]  }
0x28: {  	s2 =	sld [smem:$0x3FB1]  }
0x29: {  	s4 =	sld [smem:$0x3FB3]  }
0x2a: {  	p0 =	seq.s32 s5, $0x0;
	s5 =	sld [smem:$0x3FB4]  }
0x2b: {  	s6 =	sld [smem:$0x3FB5]  }
0x2c: {  	s7 =	sld [smem:$0x3FB6]  }
0x2d: {  	s3 =	simm.s32 $0x108;
	s8 =	sld [smem:$0x3FB7]  }
0x2e: {  	s3 =	simm.s32 @!p0 $0x1082;
	s9 =	sld [smem:$0x3FB8]  }
0x2f: {  	lr =	sadd.s32 s0, s3;
	s0 =	sld [smem:$0x3FAF]  }
0x30: {  	s3 =	sld [smem:$0x3FB2]  }
0x31: {  	[smem:$0x3FBB] =	sst s10  }
0x32: {  	s10 =	sld [smem:$0x3FB9];
	_ =	sdelay $0x3  }
0x33: {  	p0 =	seq.s32 s10, $0x1;
	s10 =	sld [smem:$0x3FBB];
	_ =	sdelay $0x3  }
0x34: {  	[smem:$0x3FBB] =	sst s10  }
0x35: {  	s10 =	sld [smem:$0x3FBA];
	_ =	sdelay $0x3  }
0x36: {  	p1 =	seq.s32 s10, $0x1;
	s10 =	sld [smem:$0x3FBB];
	_ =	sdelay $0x3  }
0x37: {  	[smem:$0x3FBB] =	sst s10  }
0x38: {  	s10 =	sld [smem:$0x3FBC]  }
0x39: {  	_ = 	snop;
	(pc) =	sbr.ind lr, $3  }
0x3a: {  	_ = 	snop  }
0x3b: {  	_ = 	snop  }
0x3c: {  	p2 =	seq.s32 s10, $0x1;
	s10 =	sld [smem:$0x3FBB]  }
0x3d: {  	_ =	shalt  }
0x3e: {  	_ =	shalt  }
0x3f: {  	_ =	shalt  }
0x40: {  	_ =	shalt  }
0x41: {  	_ =	shalt  }
0x42: {  	_ =	shalt  }
0x43: {  	_ =	shalt  }
0x44: {  	_ =	shalt  }
0x45: {  	_ =	shalt  }
0x46: {  	_ =	shalt  }
0x47: {  	_ =	shalt  }
0x48: {  	_ =	shalt  }
0x49: {  	_ =	shalt  }
0x4a: {  	_ =	shalt  }
0x4b: {  	_ =	shalt  }
0x4c: {  	_ =	shalt  }
0x4d: {  	_ =	shalt  }
0x4e: {  	_ =	shalt  }
0x4f: {  	_ =	shalt  }
0x50: {  	_ =	shalt  }
0x51: {  	_ =	shalt  }
0x52: {  	_ =	shalt  }
0x53: {  	_ =	shalt  }
0x54: {  	_ =	shalt  }
0x55: {  	_ =	shalt  }
0x56: {  	_ =	shalt  }
0x57: {  	_ =	shalt  }
0x58: {  	_ =	shalt  }
0x59: {  	_ =	shalt  }
0x5a: {  	_ =	shalt  }
0x5b: {  	_ =	shalt  }
0x5c: {  	_ =	shalt  }
0x5d: {  	_ =	shalt  }
0x5e: {  	_ =	shalt  }
0x5f: {  	_ =	shalt  }
0x60: {  	_ =	shalt  }
0x61: {  	_ =	shalt  }
0x62: {  	_ =	shalt  }
0x63: {  	_ =	shalt  }
0x64: {  	_ =	shalt  }
0x65: {  	_ =	shalt  }
0x66: {  	_ =	shalt  }
0x67: {  	_ =	shalt  }
0x68: {  	_ =	shalt  }
0x69: {  	_ =	shalt  }
0x6a: {  	_ =	shalt  }
0x6b: {  	_ =	shalt  }
0x6c: {  	_ =	shalt  }
0x6d: {  	_ =	shalt  }
0x6e: {  	_ =	shalt  }
0x6f: {  	_ =	shalt  }
0x70: {  	_ =	shalt  }
0x71: {  	_ =	shalt  }
0x72: {  	_ =	shalt  }
0x73: {  	_ =	shalt  }
0x74: {  	_ =	shalt  }
0x75: {  	_ =	shalt  }
0x76: {  	_ =	shalt  }
0x77: {  	_ =	shalt  }
0x78: {  	_ =	shalt  }
0x79: {  	_ =	shalt  }
0x7a: {  	_ =	shalt  }
0x7b: {  	_ =	shalt  }
0x7c: {  	_ =	shalt  }
0x7d: {  	_ =	shalt  }
0x7e: {  	_ =	shalt  }
0x7f: {  	_ =	shalt  }
0x80: {  	_ =	shalt  }
0x81: {  	_ =	shalt  }
0x82: {  	_ =	shalt  }
0x83: {  	_ =	shalt  }
0x84: {  	_ =	shalt  }
0x85: {  	_ =	shalt  }
0x86: {  	_ =	shalt  }
0x87: {  	_ =	shalt  }
.Lfunc_end0:
.L_simem_size_0:
called_computation_lowered:
.L_overlay_start_0:
0x88: {  	s2 =	sld [smem:$0x3FD9]  }
0x89: {  	s3 =	sld [smem:$0x3FFE];
	_ =	sdelay $0x1  }
0x8a: {  	s1 =	srdreg.scid  }
0x8b: {  	s0 =	sand.u32 $0x1, s1  }
0x8c: {  	s18 =	sshll.u32 s0, $0xA;
	s2 =	sadd.s32 s3, s2  }
0x8d: {  	s2 =	sadd.s32 s2, s18  }
0x8e: {  	[smem:$0x3FC7] =	sst s2  }
0x8f: {  	_ = 	snop  }
0x90: {  	s2 =	sld [smem:$0x3FC9]  }
0x91: {  	s19 =	sld [smem:$0x3FD0];
	(tm) =	ssettm $0x1  }
0x92: {  	s4 =	sld [smem:$0x3FFB];
	_ =	sdelay $0x3  }
0x93: {  	_ =	strace s4  }
0x94: {  	s4 =	sld [smem:$0x3FFC];
	_ =	sdelay $0x3  }
0x95: {  	_ =	strace s4  }
0x96: {  	s4 =	sld [smem:$0x3FFD];
	_ =	sdelay $0x3  }
0x97: {  	_ =	strace s4  }
0x98: {  	_ =	strace $0x8FFFFFFF  }
0x99: {  	s20 =	sld [smem:$0x3FDB];
	_ =	sdelay $0x1  }
0x9a: {  	s5 =	simm.s32 $_scs_section_size  }
0x9b: {  	s6 =	simm.s32 $_size__tile_overlayer_lowered;
	s7 =	simm.s32 $_tile_overlayer_lowered  }
0x9c: {  	s23 =	simm.s32 $0x1BFF;
	s22 =	sshll.u32 s7, $0x1;
	s4 =	sadd.s32 s5, s20  }
0x9d: {  	s8 =	simm.s32 $0x0;
	s21 =	sshll.u32 s6, $0x1;
	s6 =	sadd.s32 s22, s4  }
0x9e: {  	[timem:s8], [sflag:s23] =	dma.local [hbm:s6], s21  }
0x9f: {  	_ =	swait.ge [sflag:s23], s21  }
0xa0: {  	s5 =	ssub.s32 $0x0, s21;
	[sflag:s23] =	ssyncset.done $0x0  }
0xa1: {  	[sflag:s23] =	ssyncadd.s32 s5;
	_ =	sdelay $0x1  }
0xa2: {  	s24 =	simm.s32 $0x1B8B  }
0xa3: {  	_ =	swait.ge [sflag:s24], $0x1  }
0xa4: {  	[sflag:s24] =	ssyncset.done $0x0  }
0xa5: {  	s25 =	simm.s32 $0x1B8E;
	[sflag:s24] =	ssyncadd.s32 $0xFFFFFFFF  }
0xa6: {  	s26 =	simm.s32 $execute0_lowered;
	[smem:$0x3FD2] =	sst s25  }
0xa7: {  	s5 =	sshll.u32 s26, $0x1;
	_ =	strace $0x80000046;
	[dreg:$0x1] =	wrdreg $0xFFFFFFFF  }
0xa8: {  	s28 =	simm.s32 $_size_execute0_lowered;
	s4 =	sadd.s32 s4, s5;
	[dreg:$0x0] =	wrdreg $0x0  }
0xa9: {  	s5 =	sshll.u32 s28, $0x1;
	[dreg:$0x2] =	wrdreg s4  }
0xaa: {  	[dreg:$0x3] =	wrdreg s5  }
0xab: {  	[dreg:$0x4] =	wrdreg $0xC0  }
0xac: {  	_ =	task [dreg:s8], $0x5FFFF  }
0xad: {  	[dreg:$0x1] =	wrdreg $0xFFFFFFFF  }
0xae: {  	[dreg:$0x0] =	wrdreg $0x60  }
0xaf: {  	[dreg:$0x2] =	wrdreg s2  }
0xb0: {  	[dreg:$0x3] =	wrdreg s19  }
0xb1: {  	[dreg:$0x4] =	wrdreg $0x9  }
0xb2: {  	_ =	task.clear_ibuf [dreg:s8], $0x5FFFF;
	_ =	strace $0x90000046  }
0xb3: {  	s29 =	simm.s32 $0x9;
	_ =	strace $0x80000048  }
0xb4: {  	_ =	swait.ge [sflag:s29], $0x1  }
0xb5: {  	[sflag:s29] =	ssyncadd.s32 $0xFFFFFFFF  }
0xb6: {  	_ =	strace $0x90000048  }
0xb7: {  	_ =	sfence  }
0xb8: {  	s30 =	sld [smem:$0x0];
	_ =	sdelay $0x2  }
0xb9: {  	s31 =	sshll.u32 s1, $0xD;
	s1 =	sshrl.u32 s1, $0x2  }
0xba: {  	s3 =	sand.u32 $0x4000, s31;
	s1 =	sadd.s32 s1, s30  }
0xbb: {  	s0 =	sor.u32 s3, s0;
	s1 =	sshll.u32 s1, $0x11  }
0xbc: {  	s0 =	sor.u32 s1, s0  }
0xbd: {  	s0 =	sadd.s32 $0x8F2B, s0  }
0xbe: {  	[sflag:s0] =	ssyncadd.remote.s32 $0x1  }
0xbf: {  	_ =	sfence.sel $0xFFFF  }
0xc0: {  	[dreg:$0x0] =	wrdreg $0xFFFFFFFF;
	(pc) =	sbr.abs _section_cstart, $3  }
0xc1: {  	[dreg:$0x1] =	wrdreg $0xFFFFFFFF  }
0xc2: {  	_ =	task.clear_ibuf [dreg:s8], $0x2FFFF;
	_ =	strace $0x9FFFFFFF  }
0xc3: {  	(tm) =	ssettm $0x7FFFFFFF  }
tec
execute0_lowered:
.L_overlay_start_1:
0x0: {  	(tag) =	ssettag $0x1  }
0x1: {  	s3 =	rddreg [dreg:$0x0]  }
0x2: {  	s4 =	rddreg [dreg:$0x1]  }
0x3: {  	s1 =	srdreg.scid;
	s0 =	stileid.u32  }
0x4: {  	s9 =	simm.s32 $0x2780;
	s10 =	simm.s32 $0x2;
	s5 =	sand.u32 $0x1, s1  }
0x5: {  	s30 =	sshrl.u32 s0, $0x2;
	s2 =	sshll.u32 s0, $0x8;
	s1 =	rddreg [dreg:$0x2]  }
0x6: {  	s6 =	smul.u32 $0x13C00, s30;
	s7 =	sshll.u32 s5, $0x7;
	s8 =	sand.u32 $0x300, s2  }
0x7: {  	s2 =	simm.s32 $0x0;
	s5 =	ssub.s32 $0x2, s5;
	s7 =	sor.u32 s7, s8  }
0x8: {  	[smem:$0x7FF] =	sst s2;
	s31 =	sshrl.u32 s5, $0x1;
	s8 =	simm.s32 $0x1  }
0x9: {  	s6 =	sor.u32 s6, s7;
	_ =	strace $0x80000047;
	s5 =	ssub.s32 s5, s31  }
0xa: {  	s7 =	simm.s32 $0x400;
	s6 =	sshrl.u32 s6, $0x3;
	s5 =	smax.u32 s5, $0x1  }
0xb: {  	v0 =	vimm.f32 $0.0e+00;
	v1 =	vimm.f32 $1.000000000e+00;
	s3 =	sadd.s32 s3, s6;
	s4 =	sadd.s32 s4, s6;
	s6 =	simm.s32 $0x80  }
.LBB2_1:
0xc: {  	s11 =	simm.s32 $0x40;
	s12 =	simm.s32 $0x0  }
.LBB2_2:
0xd: {  	p0 =	sne.s32 s11, $0x9C00;
	[tilespmem:s12+$0x2780] =	vst v0;
	s12 =	smov.u32 s11;
	s11 =	sadd.s32 $0x40, s11  }
.Ltmp0:
0xe: {  	(pc) =	sbr.rel @p0 .LBB2_2-.Ltmp0, $2  }
0xf: {  	_ =	sdelay $0x2  }
0x10: {  	s12 =	sshra.s32 s12, $0x2  }
0x11: {  	[tilespmem:s12+$0x2780] =	vst v0;
	s11 =	simm.s32 $0x0  }
0x12: {  	[tilespmem:s11], [sflag:$0x1] =	stream.strided.gather [hbm4b:s3+s6], $0x2780, s7, s6, $0x38;
	[tilespmem:$0x4F00] =	vst v63  }
0x13: {  	_ =	swait.ge [sflag:s8], $0x2780  }
0x14: {  	[sflag:s8] =	ssyncset.done $0x0  }
0x15: {  	s12 =	simm.s32 $0x0;
	s11 =	simm.s32 $0x40;
	[sflag:s8] =	ssyncadd.s32 $0xFFFFD880  }
.LBB2_4:
0x16: {  	p0 =	sne.s32 s11, $0x9C00;
	v2 =	vld [tilespmem:s12+$0x0];
	_ =	sdelay $0x3  }
.Ltmp1:
0x17: {  	(pc) =	sbr.rel @p0 .LBB2_4-.Ltmp1, $2  }
0x18: {  	_ =	sdelay $0x2  }
0x19: {  	s12 =	sshra.s32 s11, $0x2;
	s11 =	sadd.s32 $0x40, s11;
	[tilespmem:v2+s9+$0x0] =	vst.idx.add.f32.msk $0xffff, v1  }
0x1a: {  	v2 =	vld [tilespmem:s12+$0x0];
	_ =	sdelay $0x5  }
0x1b: {  	s2 =	sadd.s32 $0x1, s2  }
0x1c: {  	p0 =	sne.s32 s2, s5  }
.Ltmp2:
0x1d: {  	[tilespmem:v2+s9+$0x0] =	vst.idx.add.f32.msk $0xffff, v1;
	(pc) =	sbr.rel @p0 .LBB2_1-.Ltmp2, $4  }
0x1e: {  	[hbm4b:s4+s6] =	stream.strided.scatter [tilespmem:s9], [sflag:$0x2], $0x2780, s7, s6, $0x38;
	[tilespmem:$0x4F00] =	vst v63  }
0x1f: {  	_ =	swait.ge [sflag:s10], $0x2780  }
0x20: {  	[sflag:s10] =	ssyncset.done $0x0  }
0x21: {  	[sflag:s10] =	ssyncadd.s32 $0xFFFFD880  }
0x22: {  	_ =	sfence.sel $0x180000  }
0x23: {  	[bflag:$0x0] =	sbarrier.arrive $0xFFFF  }
0x24: {  	p0 =	sne.s32 s0, $0x0;
	_ =	strace $0x90000047  }
0x25: {  	s0 =	sadd.s32 @!p0 $0x100000, s1;
	[bflag:$0x2] =	sbarrier.arrive $0xFFFF  }
0x26: {  	[sflag:s0] =	ssyncadd.tile.s32 @!p0 $0x1;
	_ =	shalt  }
.Lfunc_end2:
_tile_overlayer_lowered:
.L_overlay_start_2:
0x27: {  	(tag) =	ssettag $0x2  }
0x28: {  	s0 =	rddreg [dreg:$0x0];
	s2 =	stileid.u32  }
0x29: {  	s1 =	rddreg [dreg:$0x1];
	p0 =	sne.s32 s2, $0x0  }
0x2a: {  	s3 =	rddreg [dreg:$0x2];
	[bflag:$0x3] =	sbarrier.arrive $0xFFFF;
	s2 =	simm.s32 @!p0 $0x1C02  }
0x2b: {  	[timem:s3], [sflag:s2] =	dma.local @!p0 [hbm:s0], s1  }
0x2c: {  	s0 =	simm.s32 @!p0 $0x2  }
0x2d: {  	_ =	swait.ge @!p0 [sflag:s0], s1  }
0x2e: {  	s1 =	ssub.s32 @!p0 $0x0, s1;
	[sflag:s0] =	ssyncset.done @!p0 $0x0  }
0x2f: {  	[sflag:s0] =	ssyncadd.s32 @!p0 s1  }
0x30: {  	[bflag:$0x3] =	sbarrier.arrive $0xFFFF  }
0x31: {  	_ =	shalt  }

</sc_bundles>
